<compile_context>
chip_gen: v7x
topology: tpu7x:2x2x1
jax: 0.10.2.dev20260603
libtpu: 0.0.44.dev20260713+nightly
codegen_flags: <defaults>
</compile_context>

<pallas_src>
import functools

import jax
import jax.numpy as jnp
from jax import lax
from jax.experimental import pallas as pl
from jax.experimental.pallas import tpu as pltpu
from jax.experimental.pallas import tpu_sc as plsc

N = 10000
E = 320000
D = 128
H = 128
O = 128
NLAYER = 3
ALPHA = 0.6

NC = 2
NS = 16
NW = NC * NS
CH = 128
CPW = 79
EPAD = NW * CPW * CH
NPAD = 10112
ZPT = NPAD // NS
MBLK = 1000
GRID = N // MBLK

_mesh = plsc.VectorSubcoreMesh(
    core_axis_name="c", subcore_axis_name="s", num_cores=NC, num_subcores=NS)



@functools.partial(
    pl.kernel,
    out_type=jax.ShapeDtypeStruct((NC, NPAD, H), jnp.float32),
    mesh=_mesh,
    scratch_types=[
        pltpu.VMEM((CH,), jnp.int32),
        pltpu.VMEM((CH,), jnp.int32),
        pltpu.VMEM((CH, H), jnp.float32),
        pltpu.VMEM_SHARED((NPAD, H), jnp.float32),
        pltpu.SemaphoreType.DMA,
    ],
)
def _scatter_kernel(hp_hbm, src_hbm, dst_hbm, out_hbm,
                    srcv, dstv, rows, acc_sh, sem):
    cc = lax.axis_index("c")
    s = lax.axis_index("s")

    def fill_zero(i, carry):
        for k in range(H // 16):
            rows[i, pl.ds(k * 16, 16)] = jnp.zeros((16,), jnp.float32)
        return carry
    lax.fori_loop(0, CH, fill_zero, 0)

    for j in range(ZPT // CH):
        pltpu.sync_copy(rows, acc_sh.at[pl.ds(s * ZPT + j * CH, CH)])
    rem = ZPT % CH
    if rem:
        pltpu.sync_copy(rows.at[pl.ds(0, rem)],
                        acc_sh.at[pl.ds(s * ZPT + (ZPT // CH) * CH, rem)])
    plsc.subcore_barrier()

    wid = s * NC + cc

    def chunk(j, carry):
        off = (wid * CPW + j) * CH
        pltpu.sync_copy(src_hbm.at[pl.ds(off, CH)], srcv)
        pltpu.sync_copy(dst_hbm.at[pl.ds(off, CH)], dstv)
        pltpu.async_copy(hp_hbm.at[srcv], rows, sem).wait()
        pltpu.sync_copy(rows, acc_sh.at[dstv], add=True)
        return carry
    lax.fori_loop(0, CPW, chunk, 0)

    plsc.subcore_barrier()
    pltpu.sync_copy(acc_sh.at[pl.ds(s * ZPT, ZPT)],
                    out_hbm.at[cc, pl.ds(s * ZPT, ZPT)])



def _dot_t(a, w):
    return lax.dot_general(a, w, (((1,), (1,)), ((), ())),
                           preferred_element_type=jnp.float32)


def _tc_pre_body(x_ref, w1_ref, b1_ref, zinit_ref):
    zinit_ref[...] = _dot_t(x_ref[...], w1_ref[...]) + b1_ref[...]


def _tc_deg_body(s_ref, disb_ref):
    disb_ref[...] = lax.rsqrt(s_ref[0] + s_ref[1] + 1.0)


def _tc_hp_body(z_ref, wc_ref, disb_ref, hp_ref):
    hp_ref[...] = _dot_t(z_ref[...], wc_ref[...]) * disb_ref[...]


def _tc_layer_body(s_ref, hp_ref, disb_ref, bc_ref, accin_ref,
                   z_ref, acc_ref):
    z = jnp.maximum(
        disb_ref[...] * (s_ref[0] + s_ref[1] + hp_ref[...]) + bc_ref[...],
        0.0)
    z_ref[...] = z
    acc_ref[...] = accin_ref[...] + z


def _tc_post_body(zinit_ref, acc_ref, w2_ref, b2_ref, out_ref):
    ox = ALPHA * zinit_ref[...] + (1.0 - ALPHA) / NLAYER * acc_ref[...]
    out_ref[...] = _dot_t(ox, w2_ref[...]) + b2_ref[...]


def _row_spec():
    return pl.BlockSpec((MBLK, H), lambda i: (i, 0))


def _full_spec(shape):
    nd = len(shape)
    return pl.BlockSpec(shape, lambda i, _n=nd: (0,) * _n)


def _s_spec():
    return pl.BlockSpec((NC, MBLK, H), lambda i: (0, i, 0))


_f32 = jnp.float32
_row_sds = jax.ShapeDtypeStruct((N, H), _f32)

_tc_pre = pl.pallas_call(
    _tc_pre_body,
    grid=(GRID,),
    in_specs=[_row_spec(), _full_spec((H, D)), _full_spec((1, H))],
    out_specs=_row_spec(),
    out_shape=_row_sds,
)

_tc_deg = pl.pallas_call(
    _tc_deg_body,
    grid=(GRID,),
    in_specs=[_s_spec()],
    out_specs=_row_spec(),
    out_shape=_row_sds,
)

_tc_hp = pl.pallas_call(
    _tc_hp_body,
    grid=(GRID,),
    in_specs=[_row_spec(), _full_spec((H, H)), _row_spec()],
    out_specs=_row_spec(),
    out_shape=_row_sds,
)

_tc_layer = pl.pallas_call(
    _tc_layer_body,
    grid=(GRID,),
    in_specs=[_s_spec(), _row_spec(), _row_spec(), _full_spec((1, H)),
              _row_spec()],
    out_specs=[_row_spec(), _row_spec()],
    out_shape=[_row_sds, _row_sds],
)

_tc_post = pl.pallas_call(
    _tc_post_body,
    grid=(GRID,),
    in_specs=[_row_spec(), _row_spec(), _full_spec((O, H)),
              _full_spec((1, O))],
    out_specs=_row_spec(),
    out_shape=jax.ShapeDtypeStruct((N, O), _f32),
)


@jax.jit
def kernel(x, edge_index, W1, b1, Wc, bc, W2, b2):
    src, dst = edge_index[0], edge_index[1]
    pad = EPAD - E
    srcp = jnp.concatenate([src, jnp.zeros((pad,), src.dtype)])
    dstp = jnp.concatenate([dst, jnp.full((pad,), N, dst.dtype)])

    zinit = _tc_pre(x, W1, b1.reshape(1, H))
    hp_ones = jnp.ones((N, H), _f32)

    def pass_fn(carry, xs):
        z, acc, disb = carry
        i, wc_i, bc_i = xs
        hp = lax.cond(i == 0, lambda: hp_ones,
                      lambda: _tc_hp(z, wc_i, disb))
        s_part = _scatter_kernel(hp, srcp, dstp)

        def first():
            return z, acc, _tc_deg(s_part)

        def rest():
            z2, acc2 = _tc_layer(s_part, hp, disb, bc_i, acc)
            return z2, acc2, disb

        return lax.cond(i == 0, first, rest), None

    wc_x = jnp.concatenate([Wc[:1], Wc])
    bc_x = jnp.concatenate([bc[:1], bc]).reshape(NLAYER + 1, 1, H)
    (_, acc, _), _ = lax.scan(
        pass_fn,
        (zinit, jnp.zeros((N, H), _f32), jnp.ones((N, H), _f32)),
        (jnp.arange(NLAYER + 1), wc_x, bc_x))

    return _tc_post(zinit, acc, W2, b2.reshape(1, O))

# --- scband reference (transcript-rebuilt; emitter-appended) ---
"""Pipeline reference for scband-ssgc-31980326486700 (READ-ONLY COPY).

The authoritative reference and input builder live on the scoring server;
editing this copy changes nothing except your own understanding.
"""

import jax, jax.numpy as jnp
import numpy as np

N = 10000
E = 320000
D = 128
H = 128
O = 128
L = 3
ALPHA = 0.6


def gcn_conv(x, src, dst, W, b):
    # Faithful PyG GCNConv: linear transform, add self-loops, symmetric normalization,
    # scatter-add aggregation to dst, then bias.
    n = x.shape[0]
    loop = jnp.arange(n, dtype=src.dtype)
    s = jnp.concatenate([src, loop])
    d = jnp.concatenate([dst, loop])
    deg = jnp.zeros((n,), x.dtype).at[d].add(jnp.ones((s.shape[0],), x.dtype))
    dis = jnp.where(deg > 0, jax.lax.rsqrt(jnp.maximum(deg, 1e-12)), 0.0)
    norm = dis[s] * dis[d]
    h = x @ W.T
    msg = h[s] * norm[:, None]
    out = jnp.zeros_like(h).at[d].add(msg)
    return out + b


def setup_inputs(seed: int = 0):
    key = jax.random.key(seed)
    ks = jax.random.split(key, 12)
    x = jax.random.normal(ks[0], (N, D), dtype=jnp.float32)
    edge_index = jax.random.randint(ks[1], (2, E), 0, N, dtype=jnp.int32)
    s1 = 1.0 / np.sqrt(D)
    s2 = 1.0 / np.sqrt(H)
    W1 = jax.random.uniform(ks[2], (H, D), jnp.float32, -s1, s1)
    b1 = jax.random.uniform(ks[3], (H,), jnp.float32, -s1, s1)
    Wc = jax.random.uniform(ks[4], (L, H, H), jnp.float32, -s2, s2)
    bc = jnp.zeros((L, H), jnp.float32)
    W2 = jax.random.uniform(ks[5], (O, H), jnp.float32, -s2, s2)
    b2 = jax.random.uniform(ks[6], (O,), jnp.float32, -s2, s2)
    return {"x": x, "edge_index": edge_index, "W1": W1, "b1": b1, "Wc": Wc, "bc": bc, "W2": W2, "b2": b2}


def reference(x, edge_index, W1, b1, Wc, bc, W2, b2):
    src, dst = edge_index[0], edge_index[1]
    Z = x @ W1.T + b1
    z_init = Z
    acc = jnp.zeros_like(Z)
    for i in range(L):
        Z = jax.nn.relu(gcn_conv(Z, src, dst, Wc[i], bc[i]))
        acc = acc + Z
    out_x = ALPHA * z_init + (1.0 - ALPHA) * acc / L
    return out_x @ W2.T + b2

if __name__ == "__main__":
    import jax
    _d = setup_inputs()
    print(jax.jit(kernel)(*tuple(_d.values())))

</pallas_src>

<mosaic_0001>
#map = affine_map<(d0, d1) -> (0, 0)>
#map1 = affine_map<(d0, d1) -> (0)>
#map2 = affine_map<(d0, d1) -> (0, 0, 0)>
module attributes {stable_mosaic.version = 14 : i64} {
  func.func @_scatter_kernel(%arg0: i32, %arg1: i32, %arg2: memref<10000x128xf32, #tpu.memory_space<hbm>>, %arg3: memref<323584xi32, #tpu.memory_space<hbm>>, %arg4: memref<323584xi32, #tpu.memory_space<hbm>>, %arg5: memref<2x10112x128xf32, #tpu.memory_space<hbm>>, %arg6: memref<128xi32, #tpu.memory_space<vmem>>, %arg7: memref<128xi32, #tpu.memory_space<vmem>>, %arg8: memref<128x128xf32, #tpu.memory_space<vmem>>, %arg9: memref<10112x128xf32, #tpu.memory_space<vmem_shared>>, %arg10: memref<!tpu.dma_semaphore, #tpu.memory_space<semaphore_mem>>) attributes {dimension_semantics = [#tpu.dimension_semantics<core_parallel>, #tpu.dimension_semantics<subcore_parallel>], iteration_bounds = array<i64: 2, 16>, scalar_prefetch = 0 : i64, scratch_operands = 5 : i64, tpu.core_type = #tpu.core_type<sc_vector_subcore>, window_params = [{transform_indices = #map}, {transform_indices = #map1}, {transform_indices = #map1}, {transform_indices = #map2}]} {
    %scan3A = arith.constant 0 : i32
    %scan3A_0 = arith.constant 0 : i32
    %scan3A_1 = arith.constant 128 : i32
    %scan3A_2 = arith.addi %scan3A_0, %scan3A_1 : i32
    %scan3A_3 = arith.constant 1 : i32
    scf.for %scan3A_37 = %scan3A_0 to %scan3A_2 step %scan3A_3  : i32 {
      %broadcast_in_dim3A = arith.constant 0.000000e+00 : f32
      %broadcast_in_dim3A_38 = vector.broadcast %broadcast_in_dim3A : f32 to vector<16xf32>
      %swap3A = arith.index_cast %scan3A_37 : i32 to index
      %swap3A_39 = arith.constant 0 : index
      %swap3A_40 = tpu.vector_load %arg8[%swap3A, %swap3A_39] {strides = array<i32>} : memref<128x128xf32, #tpu.memory_space<vmem>>, vector<1x16xf32>,
      %swap3A_41 = vector.shape_cast %swap3A_40 : vector<1x16xf32> to vector<16xf32>
      %swap3A_42 = vector.shape_cast %broadcast_in_dim3A_38 : vector<16xf32> to vector<1x16xf32>
      tpu.vector_store %arg8[%swap3A, %swap3A_39], %swap3A_42 {strides = array<i32>} : memref<128x128xf32, #tpu.memory_space<vmem>>, vector<1x16xf32>,
      %broadcast_in_dim3A_43 = arith.constant 0.000000e+00 : f32
      %broadcast_in_dim3A_44 = vector.broadcast %broadcast_in_dim3A_43 : f32 to vector<16xf32>
      %swap3A_45 = arith.index_cast %scan3A_37 : i32 to index
      %swap3A_46 = arith.constant 16 : index
      %swap3A_47 = tpu.vector_load %arg8[%swap3A_45, %swap3A_46] {strides = array<i32>} : memref<128x128xf32, #tpu.memory_space<vmem>>, vector<1x16xf32>,
      %swap3A_48 = vector.shape_cast %swap3A_47 : vector<1x16xf32> to vector<16xf32>
      %swap3A_49 = vector.shape_cast %broadcast_in_dim3A_44 : vector<16xf32> to vector<1x16xf32>
      tpu.vector_store %arg8[%swap3A_45, %swap3A_46], %swap3A_49 {strides = array<i32>} : memref<128x128xf32, #tpu.memory_space<vmem>>, vector<1x16xf32>,
      %broadcast_in_dim3A_50 = arith.constant 0.000000e+00 : f32
      %broadcast_in_dim3A_51 = vector.broadcast %broadcast_in_dim3A_50 : f32 to vector<16xf32>
      %swap3A_52 = arith.index_cast %scan3A_37 : i32 to index
      %swap3A_53 = arith.constant 32 : index
      %swap3A_54 = tpu.vector_load %arg8[%swap3A_52, %swap3A_53] {strides = array<i32>} : memref<128x128xf32, #tpu.memory_space<vmem>>, vector<1x16xf32>,
      %swap3A_55 = vector.shape_cast %swap3A_54 : vector<1x16xf32> to vector<16xf32>
      %swap3A_56 = vector.shape_cast %broadcast_in_dim3A_51 : vector<16xf32> to vector<1x16xf32>
      tpu.vector_store %arg8[%swap3A_52, %swap3A_53], %swap3A_56 {strides = array<i32>} : memref<128x128xf32, #tpu.memory_space<vmem>>, vector<1x16xf32>,
      %broadcast_in_dim3A_57 = arith.constant 0.000000e+00 : f32
      %broadcast_in_dim3A_58 = vector.broadcast %broadcast_in_dim3A_57 : f32 to vector<16xf32>
      %swap3A_59 = arith.index_cast %scan3A_37 : i32 to index
      %swap3A_60 = arith.constant 48 : index
      %swap3A_61 = tpu.vector_load %arg8[%swap3A_59, %swap3A_60] {strides = array<i32>} : memref<128x128xf32, #tpu.memory_space<vmem>>, vector<1x16xf32>,
      %swap3A_62 = vector.shape_cast %swap3A_61 : vector<1x16xf32> to vector<16xf32>
      %swap3A_63 = vector.shape_cast %broadcast_in_dim3A_58 : vector<16xf32> to vector<1x16xf32>
      tpu.vector_store %arg8[%swap3A_59, %swap3A_60], %swap3A_63 {strides = array<i32>} : memref<128x128xf32, #tpu.memory_space<vmem>>, vector<1x16xf32>,
      %broadcast_in_dim3A_64 = arith.constant 0.000000e+00 : f32
      %broadcast_in_dim3A_65 = vector.broadcast %broadcast_in_dim3A_64 : f32 to vector<16xf32>
      %swap3A_66 = arith.index_cast %scan3A_37 : i32 to index
      %swap3A_67 = arith.constant 64 : index
      %swap3A_68 = tpu.vector_load %arg8[%swap3A_66, %swap3A_67] {strides = array<i32>} : memref<128x128xf32, #tpu.memory_space<vmem>>, vector<1x16xf32>,
      %swap3A_69 = vector.shape_cast %swap3A_68 : vector<1x16xf32> to vector<16xf32>
      %swap3A_70 = vector.shape_cast %broadcast_in_dim3A_65 : vector<16xf32> to vector<1x16xf32>
      tpu.vector_store %arg8[%swap3A_66, %swap3A_67], %swap3A_70 {strides = array<i32>} : memref<128x128xf32, #tpu.memory_space<vmem>>, vector<1x16xf32>,
      %broadcast_in_dim3A_71 = arith.constant 0.000000e+00 : f32
      %broadcast_in_dim3A_72 = vector.broadcast %broadcast_in_dim3A_71 : f32 to vector<16xf32>
      %swap3A_73 = arith.index_cast %scan3A_37 : i32 to index
      %swap3A_74 = arith.constant 80 : index
      %swap3A_75 = tpu.vector_load %arg8[%swap3A_73, %swap3A_74] {strides = array<i32>} : memref<128x128xf32, #tpu.memory_space<vmem>>, vector<1x16xf32>,
      %swap3A_76 = vector.shape_cast %swap3A_75 : vector<1x16xf32> to vector<16xf32>
      %swap3A_77 = vector.shape_cast %broadcast_in_dim3A_72 : vector<16xf32> to vector<1x16xf32>
      tpu.vector_store %arg8[%swap3A_73, %swap3A_74], %swap3A_77 {strides = array<i32>} : memref<128x128xf32, #tpu.memory_space<vmem>>, vector<1x16xf32>,
      %broadcast_in_dim3A_78 = arith.constant 0.000000e+00 : f32
      %broadcast_in_dim3A_79 = vector.broadcast %broadcast_in_dim3A_78 : f32 to vector<16xf32>
      %swap3A_80 = arith.index_cast %scan3A_37 : i32 to index
      %swap3A_81 = arith.constant 96 : index
      %swap3A_82 = tpu.vector_load %arg8[%swap3A_80, %swap3A_81] {strides = array<i32>} : memref<128x128xf32, #tpu.memory_space<vmem>>, vector<1x16xf32>,
      %swap3A_83 = vector.shape_cast %swap3A_82 : vector<1x16xf32> to vector<16xf32>
      %swap3A_84 = vector.shape_cast %broadcast_in_dim3A_79 : vector<16xf32> to vector<1x16xf32>
      tpu.vector_store %arg8[%swap3A_80, %swap3A_81], %swap3A_84 {strides = array<i32>} : memref<128x128xf32, #tpu.memory_space<vmem>>, vector<1x16xf32>,
      %broadcast_in_dim3A_85 = arith.constant 0.000000e+00 : f32
      %broadcast_in_dim3A_86 = vector.broadcast %broadcast_in_dim3A_85 : f32 to vector<16xf32>
      %swap3A_87 = arith.index_cast %scan3A_37 : i32 to index
      %swap3A_88 = arith.constant 112 : index
      %swap3A_89 = tpu.vector_load %arg8[%swap3A_87, %swap3A_88] {strides = array<i32>} : memref<128x128xf32, #tpu.memory_space<vmem>>, vector<1x16xf32>,
      %swap3A_90 = vector.shape_cast %swap3A_89 : vector<1x16xf32> to vector<16xf32>
      %swap3A_91 = vector.shape_cast %broadcast_in_dim3A_86 : vector<16xf32> to vector<1x16xf32>
      tpu.vector_store %arg8[%swap3A_87, %swap3A_88], %swap3A_91 {strides = array<i32>} : memref<128x128xf32, #tpu.memory_space<vmem>>, vector<1x16xf32>,
    }
    %scan3A_4 = arith.constant 128 : i32
    %mul3A = arith.constant 632 : i32
    %mul3A_5 = arith.muli %arg1, %mul3A : i32
    %add3A = arith.constant 0 : i32
    %add3A_6 = arith.addi %mul3A_5, %add3A : i32
    "tpu.region"() ({
      %run_scoped3A = tpu.sem_alloc : memref<!tpu.dma_semaphore, #tpu.memory_space<semaphore_mem>>
      %dma_start3A = arith.constant 0 : i32
      %dma_start3A_37 = tpu.memref_slice %arg9[%add3A_6, %dma_start3A] : memref<10112x128xf32, #tpu.memory_space<vmem_shared>> -> memref<128x128xf32, #tpu.memory_space<vmem_shared>>
      %dma_start3A_38 = arith.constant 0 : i32
      %dma_start3A_39 = tpu.memref_slice %arg9[%add3A_6, %dma_start3A_38] : memref<10112x128xf32, #tpu.memory_space<vmem_shared>> -> memref<128x128xf32, #tpu.memory_space<vmem_shared>>
      tpu.enqueue_dma source(%arg8 : memref<128x128xf32, #tpu.memory_space<vmem>>) target(%dma_start3A_39 : memref<128x128xf32, #tpu.memory_space<vmem_shared>>) target_semaphore(%run_scoped3A : memref<!tpu.dma_semaphore, #tpu.memory_space<semaphore_mem>>)
      %dma_wait3A = arith.constant 0 : i32
      %dma_wait3A_40 = tpu.memref_slice %arg9[%add3A_6, %dma_wait3A] : memref<10112x128xf32, #tpu.memory_space<vmem_shared>> -> memref<128x128xf32, #tpu.memory_space<vmem_shared>>
      %dma_wait3A_41 = arith.constant 0 : i32
      %dma_wait3A_42 = tpu.memref_slice %arg9[%add3A_6, %dma_wait3A_41] : memref<10112x128xf32, #tpu.memory_space<vmem_shared>> -> memref<128x128xf32, #tpu.memory_space<vmem_shared>>
      tpu.wait_dma2 semaphore(%run_scoped3A : memref<!tpu.dma_semaphore, #tpu.memory_space<semaphore_mem>>) src(%arg8 : memref<128x128xf32, #tpu.memory_space<vmem>>) dst(%dma_wait3A_42 : memref<128x128xf32, #tpu.memory_space<vmem_shared>>)
      tpu.yield
    }) : () -> ()
    %mul3A_7 = arith.constant 632 : i32
    %mul3A_8 = arith.muli %arg1, %mul3A_7 : i32
    %add3A_9 = arith.constant 128 : i32
    %add3A_10 = arith.addi %mul3A_8, %add3A_9 : i32
    "tpu.region"() ({
      %run_scoped3A = tpu.sem_alloc : memref<!tpu.dma_semaphore, #tpu.memory_space<semaphore_mem>>
      %dma_start3A = arith.constant 0 : i32
      %dma_start3A_37 = tpu.memref_slice %arg9[%add3A_10, %dma_start3A] : memref<10112x128xf32, #tpu.memory_space<vmem_shared>> -> memref<128x128xf32, #tpu.memory_space<vmem_shared>>
      %dma_start3A_38 = arith.constant 0 : i32
      %dma_start3A_39 = tpu.memref_slice %arg9[%add3A_10, %dma_start3A_38] : memref<10112x128xf32, #tpu.memory_space<vmem_shared>> -> memref<128x128xf32, #tpu.memory_space<vmem_shared>>
      tpu.enqueue_dma source(%arg8 : memref<128x128xf32, #tpu.memory_space<vmem>>) target(%dma_start3A_39 : memref<128x128xf32, #tpu.memory_space<vmem_shared>>) target_semaphore(%run_scoped3A : memref<!tpu.dma_semaphore, #tpu.memory_space<semaphore_mem>>)
      %dma_wait3A = arith.constant 0 : i32
      %dma_wait3A_40 = tpu.memref_slice %arg9[%add3A_10, %dma_wait3A] : memref<10112x128xf32, #tpu.memory_space<vmem_shared>> -> memref<128x128xf32, #tpu.memory_space<vmem_shared>>
      %dma_wait3A_41 = arith.constant 0 : i32
      %dma_wait3A_42 = tpu.memref_slice %arg9[%add3A_10, %dma_wait3A_41] : memref<10112x128xf32, #tpu.memory_space<vmem_shared>> -> memref<128x128xf32, #tpu.memory_space<vmem_shared>>
      tpu.wait_dma2 semaphore(%run_scoped3A : memref<!tpu.dma_semaphore, #tpu.memory_space<semaphore_mem>>) src(%arg8 : memref<128x128xf32, #tpu.memory_space<vmem>>) dst(%dma_wait3A_42 : memref<128x128xf32, #tpu.memory_space<vmem_shared>>)
      tpu.yield
    }) : () -> ()
    %mul3A_11 = arith.constant 632 : i32
    %mul3A_12 = arith.muli %arg1, %mul3A_11 : i32
    %add3A_13 = arith.constant 256 : i32
    %add3A_14 = arith.addi %mul3A_12, %add3A_13 : i32
    "tpu.region"() ({
      %run_scoped3A = tpu.sem_alloc : memref<!tpu.dma_semaphore, #tpu.memory_space<semaphore_mem>>
      %dma_start3A = arith.constant 0 : i32
      %dma_start3A_37 = tpu.memref_slice %arg9[%add3A_14, %dma_start3A] : memref<10112x128xf32, #tpu.memory_space<vmem_shared>> -> memref<128x128xf32, #tpu.memory_space<vmem_shared>>
      %dma_start3A_38 = arith.constant 0 : i32
      %dma_start3A_39 = tpu.memref_slice %arg9[%add3A_14, %dma_start3A_38] : memref<10112x128xf32, #tpu.memory_space<vmem_shared>> -> memref<128x128xf32, #tpu.memory_space<vmem_shared>>
      tpu.enqueue_dma source(%arg8 : memref<128x128xf32, #tpu.memory_space<vmem>>) target(%dma_start3A_39 : memref<128x128xf32, #tpu.memory_space<vmem_shared>>) target_semaphore(%run_scoped3A : memref<!tpu.dma_semaphore, #tpu.memory_space<semaphore_mem>>)
      %dma_wait3A = arith.constant 0 : i32
      %dma_wait3A_40 = tpu.memref_slice %arg9[%add3A_14, %dma_wait3A] : memref<10112x128xf32, #tpu.memory_space<vmem_shared>> -> memref<128x128xf32, #tpu.memory_space<vmem_shared>>
      %dma_wait3A_41 = arith.constant 0 : i32
      %dma_wait3A_42 = tpu.memref_slice %arg9[%add3A_14, %dma_wait3A_41] : memref<10112x128xf32, #tpu.memory_space<vmem_shared>> -> memref<128x128xf32, #tpu.memory_space<vmem_shared>>
      tpu.wait_dma2 semaphore(%run_scoped3A : memref<!tpu.dma_semaphore, #tpu.memory_space<semaphore_mem>>) src(%arg8 : memref<128x128xf32, #tpu.memory_space<vmem>>) dst(%dma_wait3A_42 : memref<128x128xf32, #tpu.memory_space<vmem_shared>>)
      tpu.yield
    }) : () -> ()
    %mul3A_15 = arith.constant 632 : i32
    %mul3A_16 = arith.muli %arg1, %mul3A_15 : i32
    %add3A_17 = arith.constant 384 : i32
    %add3A_18 = arith.addi %mul3A_16, %add3A_17 : i32
    "tpu.region"() ({
      %run_scoped3A = tpu.sem_alloc : memref<!tpu.dma_semaphore, #tpu.memory_space<semaphore_mem>>
      %dma_start3A = arith.constant 0 : i32
      %dma_start3A_37 = tpu.memref_slice %arg9[%add3A_18, %dma_start3A] : memref<10112x128xf32, #tpu.memory_space<vmem_shared>> -> memref<128x128xf32, #tpu.memory_space<vmem_shared>>
      %dma_start3A_38 = arith.constant 0 : i32
      %dma_start3A_39 = tpu.memref_slice %arg9[%add3A_18, %dma_start3A_38] : memref<10112x128xf32, #tpu.memory_space<vmem_shared>> -> memref<128x128xf32, #tpu.memory_space<vmem_shared>>
      tpu.enqueue_dma source(%arg8 : memref<128x128xf32, #tpu.memory_space<vmem>>) target(%dma_start3A_39 : memref<128x128xf32, #tpu.memory_space<vmem_shared>>) target_semaphore(%run_scoped3A : memref<!tpu.dma_semaphore, #tpu.memory_space<semaphore_mem>>)
      %dma_wait3A = arith.constant 0 : i32
      %dma_wait3A_40 = tpu.memref_slice %arg9[%add3A_18, %dma_wait3A] : memref<10112x128xf32, #tpu.memory_space<vmem_shared>> -> memref<128x128xf32, #tpu.memory_space<vmem_shared>>
      %dma_wait3A_41 = arith.constant 0 : i32
      %dma_wait3A_42 = tpu.memref_slice %arg9[%add3A_18, %dma_wait3A_41] : memref<10112x128xf32, #tpu.memory_space<vmem_shared>> -> memref<128x128xf32, #tpu.memory_space<vmem_shared>>
      tpu.wait_dma2 semaphore(%run_scoped3A : memref<!tpu.dma_semaphore, #tpu.memory_space<semaphore_mem>>) src(%arg8 : memref<128x128xf32, #tpu.memory_space<vmem>>) dst(%dma_wait3A_42 : memref<128x128xf32, #tpu.memory_space<vmem_shared>>)
      tpu.yield
    }) : () -> ()
    %mul3A_19 = arith.constant 632 : i32
    %mul3A_20 = arith.muli %arg1, %mul3A_19 : i32
    %add3A_21 = arith.constant 512 : i32
    %add3A_22 = arith.addi %mul3A_20, %add3A_21 : i32
    "tpu.region"() ({
      %run_scoped3A = tpu.sem_alloc : memref<!tpu.dma_semaphore, #tpu.memory_space<semaphore_mem>>
      %dma_start3A = arith.constant 0 : i32
      %dma_start3A_37 = arith.constant 0 : i32
      %dma_start3A_38 = tpu.memref_slice %arg8[%dma_start3A, %dma_start3A_37] : memref<128x128xf32, #tpu.memory_space<vmem>> -> memref<120x128xf32, #tpu.memory_space<vmem>>
      %dma_start3A_39 = arith.constant 0 : i32
      %dma_start3A_40 = tpu.memref_slice %arg9[%add3A_22, %dma_start3A_39] : memref<10112x128xf32, #tpu.memory_space<vmem_shared>> -> memref<120x128xf32, #tpu.memory_space<vmem_shared>>
      %dma_start3A_41 = arith.constant 0 : i32
      %dma_start3A_42 = tpu.memref_slice %arg9[%add3A_22, %dma_start3A_41] : memref<10112x128xf32, #tpu.memory_space<vmem_shared>> -> memref<120x128xf32, #tpu.memory_space<vmem_shared>>
      %dma_start3A_43 = arith.constant 0 : i32
      %dma_start3A_44 = arith.constant 0 : i32
      %dma_start3A_45 = tpu.memref_slice %arg8[%dma_start3A_43, %dma_start3A_44] : memref<128x128xf32, #tpu.memory_space<vmem>> -> memref<120x128xf32, #tpu.memory_space<vmem>>
      tpu.enqueue_dma source(%dma_start3A_45 : memref<120x128xf32, #tpu.memory_space<vmem>>) target(%dma_start3A_42 : memref<120x128xf32, #tpu.memory_space<vmem_shared>>) target_semaphore(%run_scoped3A : memref<!tpu.dma_semaphore, #tpu.memory_space<semaphore_mem>>)
      %dma_wait3A = arith.constant 0 : i32
      %dma_wait3A_46 = arith.constant 0 : i32
      %dma_wait3A_47 = tpu.memref_slice %arg8[%dma_wait3A, %dma_wait3A_46] : memref<128x128xf32, #tpu.memory_space<vmem>> -> memref<120x128xf32, #tpu.memory_space<vmem>>
      %dma_wait3A_48 = arith.constant 0 : i32
      %dma_wait3A_49 = tpu.memref_slice %arg9[%add3A_22, %dma_wait3A_48] : memref<10112x128xf32, #tpu.memory_space<vmem_shared>> -> memref<120x128xf32, #tpu.memory_space<vmem_shared>>
      %dma_wait3A_50 = arith.constant 0 : i32
      %dma_wait3A_51 = tpu.memref_slice %arg9[%add3A_22, %dma_wait3A_50] : memref<10112x128xf32, #tpu.memory_space<vmem_shared>> -> memref<120x128xf32, #tpu.memory_space<vmem_shared>>
      %dma_wait3A_52 = arith.constant 0 : i32
      %dma_wait3A_53 = arith.constant 0 : i32
      %dma_wait3A_54 = tpu.memref_slice %arg8[%dma_wait3A_52, %dma_wait3A_53] : memref<128x128xf32, #tpu.memory_space<vmem>> -> memref<120x128xf32, #tpu.memory_space<vmem>>
      tpu.wait_dma2 semaphore(%run_scoped3A : memref<!tpu.dma_semaphore, #tpu.memory_space<semaphore_mem>>) src(%dma_wait3A_54 : memref<120x128xf32, #tpu.memory_space<vmem>>) dst(%dma_wait3A_51 : memref<120x128xf32, #tpu.memory_space<vmem_shared>>)
      tpu.yield
    }) : () -> ()
    %barrier3A = arith.constant 0 : index
    tpu.barrier barrier_id(%barrier3A)
    %mul3A_23 = arith.constant 2 : i32
    %mul3A_24 = arith.muli %arg1, %mul3A_23 : i32
    %add3A_25 = arith.addi %mul3A_24, %arg0 : i32
    %scan3A_26 = arith.constant 0 : i32
    %scan3A_27 = arith.constant 0 : i32
    %scan3A_28 = arith.constant 79 : i32
    %scan3A_29 = arith.addi %scan3A_27, %scan3A_28 : i32
    %scan3A_30 = arith.constant 1 : i32
    scf.for %scan3A_37 = %scan3A_27 to %scan3A_29 step %scan3A_30  : i32 {
      %mul3A_38 = arith.constant 79 : i32
      %mul3A_39 = arith.muli %add3A_25, %mul3A_38 : i32
      %add3A_40 = arith.addi %mul3A_39, %scan3A_37 : i32
      %mul3A_41 = arith.constant 128 : i32
      %mul3A_42 = arith.muli %add3A_40, %mul3A_41 : i32
      "tpu.region"() ({
        %run_scoped3A = tpu.sem_alloc : memref<!tpu.dma_semaphore, #tpu.memory_space<semaphore_mem>>
        %dma_start3A_47 = tpu.memref_slice %arg3[%mul3A_42] : memref<323584xi32, #tpu.memory_space<hbm>> -> memref<128xi32, #tpu.memory_space<hbm>>
        %dma_start3A_48 = tpu.memref_slice %arg3[%mul3A_42] : memref<323584xi32, #tpu.memory_space<hbm>> -> memref<128xi32, #tpu.memory_space<hbm>>
        tpu.enqueue_dma source(%dma_start3A_48 : memref<128xi32, #tpu.memory_space<hbm>>) target(%arg6 : memref<128xi32, #tpu.memory_space<vmem>>) target_semaphore(%run_scoped3A : memref<!tpu.dma_semaphore, #tpu.memory_space<semaphore_mem>>)
        %dma_wait3A_49 = tpu.memref_slice %arg3[%mul3A_42] : memref<323584xi32, #tpu.memory_space<hbm>> -> memref<128xi32, #tpu.memory_space<hbm>>
        %dma_wait3A_50 = tpu.memref_slice %arg3[%mul3A_42] : memref<323584xi32, #tpu.memory_space<hbm>> -> memref<128xi32, #tpu.memory_space<hbm>>
        tpu.wait_dma2 semaphore(%run_scoped3A : memref<!tpu.dma_semaphore, #tpu.memory_space<semaphore_mem>>) src(%dma_wait3A_50 : memref<128xi32, #tpu.memory_space<hbm>>) dst(%arg6 : memref<128xi32, #tpu.memory_space<vmem>>)
        tpu.yield
      }) : () -> ()
      "tpu.region"() ({
        %run_scoped3A = tpu.sem_alloc : memref<!tpu.dma_semaphore, #tpu.memory_space<semaphore_mem>>
        %dma_start3A_47 = tpu.memref_slice %arg4[%mul3A_42] : memref<323584xi32, #tpu.memory_space<hbm>> -> memref<128xi32, #tpu.memory_space<hbm>>
        %dma_start3A_48 = tpu.memref_slice %arg4[%mul3A_42] : memref<323584xi32, #tpu.memory_space<hbm>> -> memref<128xi32, #tpu.memory_space<hbm>>
        tpu.enqueue_dma source(%dma_start3A_48 : memref<128xi32, #tpu.memory_space<hbm>>) target(%arg7 : memref<128xi32, #tpu.memory_space<vmem>>) target_semaphore(%run_scoped3A : memref<!tpu.dma_semaphore, #tpu.memory_space<semaphore_mem>>)
        %dma_wait3A_49 = tpu.memref_slice %arg4[%mul3A_42] : memref<323584xi32, #tpu.memory_space<hbm>> -> memref<128xi32, #tpu.memory_space<hbm>>
        %dma_wait3A_50 = tpu.memref_slice %arg4[%mul3A_42] : memref<323584xi32, #tpu.memory_space<hbm>> -> memref<128xi32, #tpu.memory_space<hbm>>
        tpu.wait_dma2 semaphore(%run_scoped3A : memref<!tpu.dma_semaphore, #tpu.memory_space<semaphore_mem>>) src(%dma_wait3A_50 : memref<128xi32, #tpu.memory_space<hbm>>) dst(%arg7 : memref<128xi32, #tpu.memory_space<vmem>>)
        tpu.yield
      }) : () -> ()
      %dma_start3A = arith.constant 0 : i32
      %dma_start3A_43 = arith.constant 0 : i32
      %dma_start3A_44 = tpu.memref_slice %arg2[%dma_start3A, %dma_start3A_43] : memref<10000x128xf32, #tpu.memory_space<hbm>> -> memref<10000x128xf32, #tpu.memory_space<hbm>>
      tpu.enqueue_indirect_dma source(%dma_start3A_44 : memref<10000x128xf32, #tpu.memory_space<hbm>>) target(%arg8 : memref<128x128xf32, #tpu.memory_space<vmem>>) offsets(%arg6 : memref<128xi32, #tpu.memory_space<vmem>>) semaphore(%arg10 : memref<!tpu.dma_semaphore, #tpu.memory_space<semaphore_mem>>)
      %dma_wait3A = arith.constant 0 : i32
      %dma_wait3A_45 = arith.constant 0 : i32
      %dma_wait3A_46 = tpu.memref_slice %arg2[%dma_wait3A, %dma_wait3A_45] : memref<10000x128xf32, #tpu.memory_space<hbm>> -> memref<10000x128xf32, #tpu.memory_space<hbm>>
      tpu.wait_indirect_dma semaphore(%arg10 : memref<!tpu.dma_semaphore, #tpu.memory_space<semaphore_mem>>) src(%dma_wait3A_46 : memref<10000x128xf32, #tpu.memory_space<hbm>>) dst(%arg8 : memref<128x128xf32, #tpu.memory_space<vmem>>)
      "tpu.region"() ({
        %run_scoped3A = tpu.sem_alloc : memref<!tpu.dma_semaphore, #tpu.memory_space<semaphore_mem>>
        %dma_start3A_47 = arith.constant 0 : i32
        %dma_start3A_48 = arith.constant 0 : i32
        %dma_start3A_49 = tpu.memref_slice %arg9[%dma_start3A_47, %dma_start3A_48] : memref<10112x128xf32, #tpu.memory_space<vmem_shared>> -> memref<10112x128xf32, #tpu.memory_space<vmem_shared>>
        tpu.enqueue_indirect_dma source(%arg8 : memref<128x128xf32, #tpu.memory_space<vmem>>) target(%dma_start3A_49 : memref<10112x128xf32, #tpu.memory_space<vmem_shared>>) offsets(%arg7 : memref<128xi32, #tpu.memory_space<vmem>>) semaphore(%run_scoped3A : memref<!tpu.dma_semaphore, #tpu.memory_space<semaphore_mem>>) {add = true}
        %dma_wait3A_50 = arith.constant 0 : i32
        %dma_wait3A_51 = arith.constant 0 : i32
        %dma_wait3A_52 = tpu.memref_slice %arg9[%dma_wait3A_50, %dma_wait3A_51] : memref<10112x128xf32, #tpu.memory_space<vmem_shared>> -> memref<10112x128xf32, #tpu.memory_space<vmem_shared>>
        tpu.wait_indirect_dma semaphore(%run_scoped3A : memref<!tpu.dma_semaphore, #tpu.memory_space<semaphore_mem>>) src(%arg8 : memref<128x128xf32, #tpu.memory_space<vmem>>) dst(%dma_wait3A_52 : memref<10112x128xf32, #tpu.memory_space<vmem_shared>>)
        tpu.yield
      }) : () -> ()
    }
    %scan3A_31 = arith.constant 79 : i32
    %barrier3A_32 = arith.constant 0 : index
    tpu.barrier barrier_id(%barrier3A_32)
    %mul3A_33 = arith.constant 632 : i32
    %mul3A_34 = arith.muli %arg1, %mul3A_33 : i32
    %mul3A_35 = arith.constant 632 : i32
    %mul3A_36 = arith.muli %arg1, %mul3A_35 : i32
    "tpu.region"() ({
      %run_scoped3A = tpu.sem_alloc : memref<!tpu.dma_semaphore, #tpu.memory_space<semaphore_mem>>
      %dma_start3A = arith.constant 0 : i32
      %dma_start3A_37 = tpu.memref_slice %arg5[%arg0, %mul3A_36, %dma_start3A] : memref<2x10112x128xf32, #tpu.memory_space<hbm>> -> memref<1x632x128xf32, #tpu.memory_space<hbm>>
      %dma_start3A_38 = tpu.memref_squeeze %dma_start3A_37 : memref<1x632x128xf32, #tpu.memory_space<hbm>> -> memref<632x128xf32, #tpu.memory_space<hbm>>
      %dma_start3A_39 = arith.constant 0 : i32
      %dma_start3A_40 = tpu.memref_slice %arg9[%mul3A_34, %dma_start3A_39] : memref<10112x128xf32, #tpu.memory_space<vmem_shared>> -> memref<632x128xf32, #tpu.memory_space<vmem_shared>>
      tpu.enqueue_dma source(%dma_start3A_40 : memref<632x128xf32, #tpu.memory_space<vmem_shared>>) target(%dma_start3A_38 : memref<632x128xf32, #tpu.memory_space<hbm>>) target_semaphore(%run_scoped3A : memref<!tpu.dma_semaphore, #tpu.memory_space<semaphore_mem>>)
      %dma_wait3A = arith.constant 0 : i32
      %dma_wait3A_41 = tpu.memref_slice %arg5[%arg0, %mul3A_36, %dma_wait3A] : memref<2x10112x128xf32, #tpu.memory_space<hbm>> -> memref<1x632x128xf32, #tpu.memory_space<hbm>>
      %dma_wait3A_42 = tpu.memref_squeeze %dma_wait3A_41 : memref<1x632x128xf32, #tpu.memory_space<hbm>> -> memref<632x128xf32, #tpu.memory_space<hbm>>
      %dma_wait3A_43 = arith.constant 0 : i32
      %dma_wait3A_44 = tpu.memref_slice %arg9[%mul3A_34, %dma_wait3A_43] : memref<10112x128xf32, #tpu.memory_space<vmem_shared>> -> memref<632x128xf32, #tpu.memory_space<vmem_shared>>
      tpu.wait_dma2 semaphore(%run_scoped3A : memref<!tpu.dma_semaphore, #tpu.memory_space<semaphore_mem>>) src(%dma_wait3A_44 : memref<632x128xf32, #tpu.memory_space<vmem_shared>>) dst(%dma_wait3A_42 : memref<632x128xf32, #tpu.memory_space<hbm>>)
      tpu.yield
    }) : () -> ()
    return
  }
}

module attributes {stable_mosaic.version = 14 : i64} {
  func.func @_tc_pre_body(%arg0: i32, %arg1: memref<1000x128xf32, #tpu.memory_space<vmem>>, %arg2: memref<128x128xf32, #tpu.memory_space<vmem>>, %arg3: memref<1x128xf32, #tpu.memory_space<vmem>>, %arg4: memref<1000x128xf32, #tpu.memory_space<vmem>>) attributes {dimension_semantics = [#tpu.dimension_semantics<arbitrary>], iteration_bounds = array<i64: 10>, scalar_prefetch = 0 : i64, scratch_operands = 0 : i64, tpu.core_type = #tpu.core_type<tc>, window_params = [{transform_indices = @transform_0, window_bounds = array<i64: 1000, 128>}, {pipeline_mode = #tpu.pipeline_mode<synchronous>, transform_indices = @transform_1, window_bounds = array<i64: 128, 128>}, {pipeline_mode = #tpu.pipeline_mode<synchronous>, transform_indices = @transform_2, window_bounds = array<i64: 1, 128>}, {transform_indices = @transform_3, window_bounds = array<i64: 1000, 128>}]} {
    %get3A = arith.constant 0 : index
    %get3A_0 = arith.constant 0 : index
    %get3A_1 = vector.load %arg1[%get3A, %get3A_0] : memref<1000x128xf32, #tpu.memory_space<vmem>>, vector<1000x128xf32>
    %get3A_2 = arith.constant 0 : index
    %get3A_3 = arith.constant 0 : index
    %get3A_4 = vector.load %arg2[%get3A_2, %get3A_3] : memref<128x128xf32, #tpu.memory_space<vmem>>, vector<128x128xf32>
    %dot_general3A = arith.constant dense<0.000000e+00> : vector<1000x128xf32>
    %dot_general3A_5 = tpu.matmul %get3A_1, %get3A_4, %dot_general3A {dimension_numbers = #tpu.dot_dimension_numbers<[1], [1], [0], [0], [0, 0, 1, 0], [], []>, transpose_lhs_hint = false} : vector<1000x128xf32>, vector<128x128xf32>, vector<1000x128xf32> -> vector<1000x128xf32>
    %get3A_6 = arith.constant 0 : index
    %get3A_7 = arith.constant 0 : index
    %get3A_8 = vector.load %arg3[%get3A_6, %get3A_7] : memref<1x128xf32, #tpu.memory_space<vmem>>, vector<1x128xf32>
    %add3A = vector.broadcast %get3A_8 : vector<1x128xf32> to vector<1000x128xf32>
    %add3A_9 = arith.addf %dot_general3A_5, %add3A : vector<1000x128xf32>
    %swap3A = arith.constant 0 : index
    %swap3A_10 = arith.constant 0 : index
    %swap3A_11 = vector.load %arg4[%swap3A, %swap3A_10] : memref<1000x128xf32, #tpu.memory_space<vmem>>, vector<1000x128xf32>
    tpu.vector_store %arg4[%swap3A, %swap3A_10], %add3A_9 {strides = array<i32>} : memref<1000x128xf32, #tpu.memory_space<vmem>>, vector<1000x128xf32>,
    return
  }
  func.func @transform_0(%arg0: i32) -> (i32, i32) {
    %c0_i32 = arith.constant 0 : i32
    %c0_i32_0 = arith.constant 0 : i32
    return %arg0, %c0_i32 : i32, i32
  }
  func.func @transform_1(%arg0: i32) -> (i32, i32) {
    %c0_i32 = arith.constant 0 : i32
    %c0_i32_0 = arith.constant 0 : i32
    %c0_i32_1 = arith.constant 0 : i32
    return %c0_i32, %c0_i32_0 : i32, i32
  }
  func.func @transform_2(%arg0: i32) -> (i32, i32) {
    %c0_i32 = arith.constant 0 : i32
    %c0_i32_0 = arith.constant 0 : i32
    %c0_i32_1 = arith.constant 0 : i32
    return %c0_i32, %c0_i32_0 : i32, i32
  }
  func.func @transform_3(%arg0: i32) -> (i32, i32) {
    %c0_i32 = arith.constant 0 : i32
    %c0_i32_0 = arith.constant 0 : i32
    return %arg0, %c0_i32 : i32, i32
  }
}

module attributes {stable_mosaic.version = 14 : i64} {
  func.func @_tc_hp_body(%arg0: i32, %arg1: memref<1000x128xf32, #tpu.memory_space<vmem>>, %arg2: memref<128x128xf32, #tpu.memory_space<vmem>>, %arg3: memref<1000x128xf32, #tpu.memory_space<vmem>>, %arg4: memref<1000x128xf32, #tpu.memory_space<vmem>>) attributes {dimension_semantics = [#tpu.dimension_semantics<arbitrary>], iteration_bounds = array<i64: 10>, scalar_prefetch = 0 : i64, scratch_operands = 0 : i64, tpu.core_type = #tpu.core_type<tc>, window_params = [{transform_indices = @transform_0, window_bounds = array<i64: 1000, 128>}, {pipeline_mode = #tpu.pipeline_mode<synchronous>, transform_indices = @transform_1, window_bounds = array<i64: 128, 128>}, {transform_indices = @transform_2, window_bounds = array<i64: 1000, 128>}, {transform_indices = @transform_3, window_bounds = array<i64: 1000, 128>}]} {
    %get3A = arith.constant 0 : index
    %get3A_0 = arith.constant 0 : index
    %get3A_1 = vector.load %arg1[%get3A, %get3A_0] : memref<1000x128xf32, #tpu.memory_space<vmem>>, vector<1000x128xf32>
    %get3A_2 = arith.constant 0 : index
    %get3A_3 = arith.constant 0 : index
    %get3A_4 = vector.load %arg2[%get3A_2, %get3A_3] : memref<128x128xf32, #tpu.memory_space<vmem>>, vector<128x128xf32>
    %dot_general3A = arith.constant dense<0.000000e+00> : vector<1000x128xf32>
    %dot_general3A_5 = tpu.matmul %get3A_1, %get3A_4, %dot_general3A {dimension_numbers = #tpu.dot_dimension_numbers<[1], [1], [0], [0], [0, 0, 1, 0], [], []>, transpose_lhs_hint = false} : vector<1000x128xf32>, vector<128x128xf32>, vector<1000x128xf32> -> vector<1000x128xf32>
    %get3A_6 = arith.constant 0 : index
    %get3A_7 = arith.constant 0 : index
    %get3A_8 = vector.load %arg3[%get3A_6, %get3A_7] : memref<1000x128xf32, #tpu.memory_space<vmem>>, vector<1000x128xf32>
    %mul3A = arith.mulf %dot_general3A_5, %get3A_8 : vector<1000x128xf32>
    %swap3A = arith.constant 0 : index
    %swap3A_9 = arith.constant 0 : index
    %swap3A_10 = vector.load %arg4[%swap3A, %swap3A_9] : memref<1000x128xf32, #tpu.memory_space<vmem>>, vector<1000x128xf32>
    tpu.vector_store %arg4[%swap3A, %swap3A_9], %mul3A {strides = array<i32>} : memref<1000x128xf32, #tpu.memory_space<vmem>>, vector<1000x128xf32>,
    return
  }
  func.func @transform_0(%arg0: i32) -> (i32, i32) {
    %c0_i32 = arith.constant 0 : i32
    %c0_i32_0 = arith.constant 0 : i32
    return %arg0, %c0_i32 : i32, i32
  }
  func.func @transform_1(%arg0: i32) -> (i32, i32) {
    %c0_i32 = arith.constant 0 : i32
    %c0_i32_0 = arith.constant 0 : i32
    %c0_i32_1 = arith.constant 0 : i32
    return %c0_i32, %c0_i32_0 : i32, i32
  }
  func.func @transform_2(%arg0: i32) -> (i32, i32) {
    %c0_i32 = arith.constant 0 : i32
    %c0_i32_0 = arith.constant 0 : i32
    return %arg0, %c0_i32 : i32, i32
  }
  func.func @transform_3(%arg0: i32) -> (i32, i32) {
    %c0_i32 = arith.constant 0 : i32
    %c0_i32_0 = arith.constant 0 : i32
    return %arg0, %c0_i32 : i32, i32
  }
}

module attributes {stable_mosaic.version = 14 : i64} {
  func.func @_tc_layer_body(%arg0: i32, %arg1: memref<2x1000x128xf32, #tpu.memory_space<vmem>>, %arg2: memref<1000x128xf32, #tpu.memory_space<vmem>>, %arg3: memref<1000x128xf32, #tpu.memory_space<vmem>>, %arg4: memref<1x128xf32, #tpu.memory_space<vmem>>, %arg5: memref<1000x128xf32, #tpu.memory_space<vmem>>, %arg6: memref<1000x128xf32, #tpu.memory_space<vmem>>, %arg7: memref<1000x128xf32, #tpu.memory_space<vmem>>) attributes {dimension_semantics = [#tpu.dimension_semantics<arbitrary>], iteration_bounds = array<i64: 10>, scalar_prefetch = 0 : i64, scratch_operands = 0 : i64, tpu.core_type = #tpu.core_type<tc>, window_params = [{transform_indices = @transform_0, window_bounds = array<i64: 2, 1000, 128>}, {transform_indices = @transform_1, window_bounds = array<i64: 1000, 128>}, {transform_indices = @transform_2, window_bounds = array<i64: 1000, 128>}, {pipeline_mode = #tpu.pipeline_mode<synchronous>, transform_indices = @transform_3, window_bounds = array<i64: 1, 128>}, {transform_indices = @transform_4, window_bounds = array<i64: 1000, 128>}, {transform_indices = @transform_5, window_bounds = array<i64: 1000, 128>}, {transform_indices = @transform_6, window_bounds = array<i64: 1000, 128>}]} {
    %get3A = arith.constant 0 : index
    %get3A_0 = arith.constant 0 : index
    %get3A_1 = vector.load %arg3[%get3A, %get3A_0] : memref<1000x128xf32, #tpu.memory_space<vmem>>, vector<1000x128xf32>
    %get3A_2 = arith.constant 0 : index
    %get3A_3 = arith.constant 0 : index
    %get3A_4 = arith.constant 0 : index
    %get3A_5 = vector.load %arg1[%get3A_2, %get3A_3, %get3A_4] : memref<2x1000x128xf32, #tpu.memory_space<vmem>>, vector<1x1000x128xf32>
    %get3A_6 = vector.shape_cast %get3A_5 : vector<1x1000x128xf32> to vector<1000x128xf32>
    %get3A_7 = arith.constant 1 : index
    %get3A_8 = arith.constant 0 : index
    %get3A_9 = arith.constant 0 : index
    %get3A_10 = vector.load %arg1[%get3A_7, %get3A_8, %get3A_9] : memref<2x1000x128xf32, #tpu.memory_space<vmem>>, vector<1x1000x128xf32>
    %get3A_11 = vector.shape_cast %get3A_10 : vector<1x1000x128xf32> to vector<1000x128xf32>
    %add3A = arith.addf %get3A_6, %get3A_11 : vector<1000x128xf32>
    %get3A_12 = arith.constant 0 : index
    %get3A_13 = arith.constant 0 : index
    %get3A_14 = vector.load %arg2[%get3A_12, %get3A_13] : memref<1000x128xf32, #tpu.memory_space<vmem>>, vector<1000x128xf32>
    %add3A_15 = arith.addf %add3A, %get3A_14 : vector<1000x128xf32>
    %mul3A = arith.mulf %get3A_1, %add3A_15 : vector<1000x128xf32>
    %get3A_16 = arith.constant 0 : index
    %get3A_17 = arith.constant 0 : index
    %get3A_18 = vector.load %arg4[%get3A_16, %get3A_17] : memref<1x128xf32, #tpu.memory_space<vmem>>, vector<1x128xf32>
    %add3A_19 = vector.broadcast %get3A_18 : vector<1x128xf32> to vector<1000x128xf32>
    %add3A_20 = arith.addf %mul3A, %add3A_19 : vector<1000x128xf32>
    %max3A = arith.constant 0.000000e+00 : f32
    %max3A_21 = vector.broadcast %max3A : f32 to vector<1000x128xf32>
    %max3A_22 = arith.maximumf %add3A_20, %max3A_21 : vector<1000x128xf32>
    %swap3A = arith.constant 0 : index
    %swap3A_23 = arith.constant 0 : index
    %swap3A_24 = vector.load %arg6[%swap3A, %swap3A_23] : memref<1000x128xf32, #tpu.memory_space<vmem>>, vector<1000x128xf32>
    tpu.vector_store %arg6[%swap3A, %swap3A_23], %max3A_22 {strides = array<i32>} : memref<1000x128xf32, #tpu.memory_space<vmem>>, vector<1000x128xf32>,
    %get3A_25 = arith.constant 0 : index
    %get3A_26 = arith.constant 0 : index
    %get3A_27 = vector.load %arg5[%get3A_25, %get3A_26] : memref<1000x128xf32, #tpu.memory_space<vmem>>, vector<1000x128xf32>
    %add3A_28 = arith.addf %get3A_27, %max3A_22 : vector<1000x128xf32>
    %swap3A_29 = arith.constant 0 : index
    %swap3A_30 = arith.constant 0 : index
    %swap3A_31 = vector.load %arg7[%swap3A_29, %swap3A_30] : memref<1000x128xf32, #tpu.memory_space<vmem>>, vector<1000x128xf32>
    tpu.vector_store %arg7[%swap3A_29, %swap3A_30], %add3A_28 {strides = array<i32>} : memref<1000x128xf32, #tpu.memory_space<vmem>>, vector<1000x128xf32>,
    return
  }
  func.func @transform_0(%arg0: i32) -> (i32, i32, i32) {
    %c0_i32 = arith.constant 0 : i32
    %c0_i32_0 = arith.constant 0 : i32
    %c0_i32_1 = arith.constant 0 : i32
    return %c0_i32, %arg0, %c0_i32_0 : i32, i32, i32
  }
  func.func @transform_1(%arg0: i32) -> (i32, i32) {
    %c0_i32 = arith.constant 0 : i32
    %c0_i32_0 = arith.constant 0 : i32
    return %arg0, %c0_i32 : i32, i32
  }
  func.func @transform_2(%arg0: i32) -> (i32, i32) {
    %c0_i32 = arith.constant 0 : i32
    %c0_i32_0 = arith.constant 0 : i32
    return %arg0, %c0_i32 : i32, i32
  }
  func.func @transform_3(%arg0: i32) -> (i32, i32) {
    %c0_i32 = arith.constant 0 : i32
    %c0_i32_0 = arith.constant 0 : i32
    %c0_i32_1 = arith.constant 0 : i32
    return %c0_i32, %c0_i32_0 : i32, i32
  }
  func.func @transform_4(%arg0: i32) -> (i32, i32) {
    %c0_i32 = arith.constant 0 : i32
    %c0_i32_0 = arith.constant 0 : i32
    return %arg0, %c0_i32 : i32, i32
  }
  func.func @transform_5(%arg0: i32) -> (i32, i32) {
    %c0_i32 = arith.constant 0 : i32
    %c0_i32_0 = arith.constant 0 : i32
    return %arg0, %c0_i32 : i32, i32
  }
  func.func @transform_6(%arg0: i32) -> (i32, i32) {
    %c0_i32 = arith.constant 0 : i32
    %c0_i32_0 = arith.constant 0 : i32
    return %arg0, %c0_i32 : i32, i32
  }
}

module attributes {stable_mosaic.version = 14 : i64} {
  func.func @_tc_deg_body(%arg0: i32, %arg1: memref<2x1000x128xf32, #tpu.memory_space<vmem>>, %arg2: memref<1000x128xf32, #tpu.memory_space<vmem>>) attributes {dimension_semantics = [#tpu.dimension_semantics<arbitrary>], iteration_bounds = array<i64: 10>, scalar_prefetch = 0 : i64, scratch_operands = 0 : i64, tpu.core_type = #tpu.core_type<tc>, window_params = [{transform_indices = @transform_0, window_bounds = array<i64: 2, 1000, 128>}, {transform_indices = @transform_1, window_bounds = array<i64: 1000, 128>}]} {
    %get3A = arith.constant 0 : index
    %get3A_0 = arith.constant 0 : index
    %get3A_1 = arith.constant 0 : index
    %get3A_2 = vector.load %arg1[%get3A, %get3A_0, %get3A_1] : memref<2x1000x128xf32, #tpu.memory_space<vmem>>, vector<1x1000x128xf32>
    %get3A_3 = vector.shape_cast %get3A_2 : vector<1x1000x128xf32> to vector<1000x128xf32>
    %get3A_4 = arith.constant 1 : index
    %get3A_5 = arith.constant 0 : index
    %get3A_6 = arith.constant 0 : index
    %get3A_7 = vector.load %arg1[%get3A_4, %get3A_5, %get3A_6] : memref<2x1000x128xf32, #tpu.memory_space<vmem>>, vector<1x1000x128xf32>
    %get3A_8 = vector.shape_cast %get3A_7 : vector<1x1000x128xf32> to vector<1000x128xf32>
    %add3A = arith.addf %get3A_3, %get3A_8 : vector<1000x128xf32>
    %add3A_9 = arith.constant 1.000000e+00 : f32
    %add3A_10 = vector.broadcast %add3A_9 : f32 to vector<1000x128xf32>
    %add3A_11 = arith.addf %add3A, %add3A_10 : vector<1000x128xf32>
    %rsqrt3A = math.rsqrt %add3A_11 : vector<1000x128xf32>
    %swap3A = arith.constant 0 : index
    %swap3A_12 = arith.constant 0 : index
    %swap3A_13 = vector.load %arg2[%swap3A, %swap3A_12] : memref<1000x128xf32, #tpu.memory_space<vmem>>, vector<1000x128xf32>
    tpu.vector_store %arg2[%swap3A, %swap3A_12], %rsqrt3A {strides = array<i32>} : memref<1000x128xf32, #tpu.memory_space<vmem>>, vector<1000x128xf32>,
    return
  }
  func.func @transform_0(%arg0: i32) -> (i32, i32, i32) {
    %c0_i32 = arith.constant 0 : i32
    %c0_i32_0 = arith.constant 0 : i32
    %c0_i32_1 = arith.constant 0 : i32
    return %c0_i32, %arg0, %c0_i32_0 : i32, i32, i32
  }
  func.func @transform_1(%arg0: i32) -> (i32, i32) {
    %c0_i32 = arith.constant 0 : i32
    %c0_i32_0 = arith.constant 0 : i32
    return %arg0, %c0_i32 : i32, i32
  }
}

module attributes {stable_mosaic.version = 14 : i64} {
  func.func @_tc_post_body(%arg0: i32, %arg1: memref<1000x128xf32, #tpu.memory_space<vmem>>, %arg2: memref<1000x128xf32, #tpu.memory_space<vmem>>, %arg3: memref<128x128xf32, #tpu.memory_space<vmem>>, %arg4: memref<1x128xf32, #tpu.memory_space<vmem>>, %arg5: memref<1000x128xf32, #tpu.memory_space<vmem>>) attributes {dimension_semantics = [#tpu.dimension_semantics<arbitrary>], iteration_bounds = array<i64: 10>, scalar_prefetch = 0 : i64, scratch_operands = 0 : i64, tpu.core_type = #tpu.core_type<tc>, window_params = [{transform_indices = @transform_0, window_bounds = array<i64: 1000, 128>}, {transform_indices = @transform_1, window_bounds = array<i64: 1000, 128>}, {pipeline_mode = #tpu.pipeline_mode<synchronous>, transform_indices = @transform_2, window_bounds = array<i64: 128, 128>}, {pipeline_mode = #tpu.pipeline_mode<synchronous>, transform_indices = @transform_3, window_bounds = array<i64: 1, 128>}, {transform_indices = @transform_4, window_bounds = array<i64: 1000, 128>}]} {
    %get3A = arith.constant 0 : index
    %get3A_0 = arith.constant 0 : index
    %get3A_1 = vector.load %arg1[%get3A, %get3A_0] : memref<1000x128xf32, #tpu.memory_space<vmem>>, vector<1000x128xf32>
    %mul3A = arith.constant 6.000000e-01 : f32
    %mul3A_2 = vector.broadcast %mul3A : f32 to vector<1000x128xf32>
    %mul3A_3 = arith.mulf %mul3A_2, %get3A_1 : vector<1000x128xf32>
    %get3A_4 = arith.constant 0 : index
    %get3A_5 = arith.constant 0 : index
    %get3A_6 = vector.load %arg2[%get3A_4, %get3A_5] : memref<1000x128xf32, #tpu.memory_space<vmem>>, vector<1000x128xf32>
    %mul3A_7 = arith.constant 0.13333334 : f32
    %mul3A_8 = vector.broadcast %mul3A_7 : f32 to vector<1000x128xf32>
    %mul3A_9 = arith.mulf %mul3A_8, %get3A_6 : vector<1000x128xf32>
    %add3A = arith.addf %mul3A_3, %mul3A_9 : vector<1000x128xf32>
    %get3A_10 = arith.constant 0 : index
    %get3A_11 = arith.constant 0 : index
    %get3A_12 = vector.load %arg3[%get3A_10, %get3A_11] : memref<128x128xf32, #tpu.memory_space<vmem>>, vector<128x128xf32>
    %dot_general3A = arith.constant dense<0.000000e+00> : vector<1000x128xf32>
    %dot_general3A_13 = tpu.matmul %add3A, %get3A_12, %dot_general3A {dimension_numbers = #tpu.dot_dimension_numbers<[1], [1], [0], [0], [0, 0, 1, 0], [], []>, transpose_lhs_hint = false} : vector<1000x128xf32>, vector<128x128xf32>, vector<1000x128xf32> -> vector<1000x128xf32>
    %get3A_14 = arith.constant 0 : index
    %get3A_15 = arith.constant 0 : index
    %get3A_16 = vector.load %arg4[%get3A_14, %get3A_15] : memref<1x128xf32, #tpu.memory_space<vmem>>, vector<1x128xf32>
    %add3A_17 = vector.broadcast %get3A_16 : vector<1x128xf32> to vector<1000x128xf32>
    %add3A_18 = arith.addf %dot_general3A_13, %add3A_17 : vector<1000x128xf32>
    %swap3A = arith.constant 0 : index
    %swap3A_19 = arith.constant 0 : index
    %swap3A_20 = vector.load %arg5[%swap3A, %swap3A_19] : memref<1000x128xf32, #tpu.memory_space<vmem>>, vector<1000x128xf32>
    tpu.vector_store %arg5[%swap3A, %swap3A_19], %add3A_18 {strides = array<i32>} : memref<1000x128xf32, #tpu.memory_space<vmem>>, vector<1000x128xf32>,
    return
  }
  func.func @transform_0(%arg0: i32) -> (i32, i32) {
    %c0_i32 = arith.constant 0 : i32
    %c0_i32_0 = arith.constant 0 : i32
    return %arg0, %c0_i32 : i32, i32
  }
  func.func @transform_1(%arg0: i32) -> (i32, i32) {
    %c0_i32 = arith.constant 0 : i32
    %c0_i32_0 = arith.constant 0 : i32
    return %arg0, %c0_i32 : i32, i32
  }
  func.func @transform_2(%arg0: i32) -> (i32, i32) {
    %c0_i32 = arith.constant 0 : i32
    %c0_i32_0 = arith.constant 0 : i32
    %c0_i32_1 = arith.constant 0 : i32
    return %c0_i32, %c0_i32_0 : i32, i32
  }
  func.func @transform_3(%arg0: i32) -> (i32, i32) {
    %c0_i32 = arith.constant 0 : i32
    %c0_i32_0 = arith.constant 0 : i32
    %c0_i32_1 = arith.constant 0 : i32
    return %c0_i32, %c0_i32_0 : i32, i32
  }
  func.func @transform_4(%arg0: i32) -> (i32, i32) {
    %c0_i32 = arith.constant 0 : i32
    %c0_i32_0 = arith.constant 0 : i32
    return %arg0, %c0_i32 : i32, i32
  }
}

</mosaic_0001>

<sc_bundles>
// kernel: closed_call.12.cloned.1.call-start
scs
__scs_entry_jumppad:
0x0: {  	(pc) =	sbr.rel $0x88, $3  }
0x1: {  	(tag) =	ssettag $0x0;
	lr =	simm.s32 $0x1  }
0x2: {  	[smem:$0x3F99] =	sst lr;
	_ =	strace $0xD0000000  }
0x3: {  	_ = 	snop  }
0x4: {  	_ = 	snop  }
0x5: {  	_ = 	snop  }
0x6: {  	_ = 	snop  }
0x7: {  	_ = 	snop  }
__scs_overlays_trampoline_lowered:
0x8: {  	[smem:$0x3FA8] =	sst s0  }
0x9: {  	[smem:$0x3FA9] =	sst s1  }
0xa: {  	[smem:$0x3FAA] =	sst s2  }
0xb: {  	[smem:$0x3FAB] =	sst s3  }
0xc: {  	[smem:$0x3FAC] =	sst s4  }
0xd: {  	[smem:$0x3FAD] =	sst s5  }
0xe: {  	[smem:$0x3FAE] =	sst s6  }
0xf: {  	[smem:$0x3FAF] =	sst s7  }
0x10: {  	[smem:$0x3FB0] =	sst s8  }
0x11: {  	[smem:$0x3FB1] =	sst s9;
	s0 =	simm.s32 @!p0 $0x0  }
0x12: {  	s1 =	sld [smem:$0x3F97];
	s0 =	simm.s32 @p0 $0x1  }
0x13: {  	[smem:$0x3FB2] =	sst s0;
	s0 =	simm.s32 @!p1 $0x0  }
0x14: {  	s2 =	sld [smem:$0x3F96];
	s0 =	simm.s32 @p1 $0x1  }
0x15: {  	[smem:$0x3FB3] =	sst s0;
	s0 =	simm.s32 @!p2 $0x0  }
0x16: {  	s3 =	sld [smem:$0x3FDB];
	s0 =	simm.s32 @p2 $0x1  }
0x17: {  	s4 =	simm.s32 $0x1BF5;
	[smem:$0x3FB5] =	sst s0  }
0x18: {  	s0 =	sld [smem:$0x3F98];
	_ =	swait.ge [sflag:s4], $0x0  }
0x19: {  	s7 =	sld [smem:$0x3F99]  }
0x1a: {  	s8 =	sadd.s32 $0xFFFFE003, lr  }
0x1b: {  	s9 =	sadd.s32 $0xFFFFFEF7, lr;
	s5 =	simm.s32 $0xFFFFFFFF;
	p2 =	slt.u32 s8, $0xFFFFF086  }
0x1c: {  	p1 =	slt.u32 s9, $0xF7A;
	s5 =	simm.s32 @!p2 $0x0  }
0x1d: {  	s5 =	simm.s32 @p1 $0x1;
	p0 =	seq.s32 s7, s2  }
0x1e: {  	s7 =	smul.u32 @!p0 $0xF7A, s2;
	p2 =	seq.s32 @!p0 s5, $0x0  }
0x1f: {  	s9 =	smul.u32 $0xF7A, s1;
	s8 =	simm.s32 @!p0 $0x1BF5;
	p2 =	por !p2, p0  }
0x20: {  	[sflag:s8] =	ssyncset.s32 @!p0 $0xFFFFF086;
	s6 =	sadd.s32 @!p0 s3, s7;
	s7 =	simm.s32 @!p0 $0x108  }
0x21: {  	s3 =	sadd.s32 s3, s9;
	s6 =	sadd.s32 @!p0 $0x88, s6;
	s7 =	simm.s32 @p2 $0x1082  }
0x22: {  	[simem:s7], [sflag:s8] =	dma.local @!p0 [hbm:s6], $0xF7A  }
0x23: {  	s9 =	sor.u32 $0xD0000000, s2;
	s6 =	simm.s32 $0x108;
	_ =	swait.ge @!p0 [sflag:s8], $0x0  }
0x24: {  	s3 =	sadd.s32 $0x88, s3;
	s6 =	simm.s32 @!p1 $0x1082;
	[sflag:s4] =	ssyncset.s32 $0xFFFFF086  }
0x25: {  	[simem:s6], [sflag:s4] =	dma.local [hbm:s3], $0xF7A  }
0x26: {  	[smem:$0x3F99] =	sst s1;
	(tag) =	ssettag s2;
	_ =	strace s9  }
0x27: {  	s1 =	sld [smem:$0x3FA9]  }
0x28: {  	s2 =	sld [smem:$0x3FAA]  }
0x29: {  	s4 =	sld [smem:$0x3FAC]  }
0x2a: {  	p0 =	seq.s32 s5, $0x0;
	s5 =	sld [smem:$0x3FAD]  }
0x2b: {  	s6 =	sld [smem:$0x3FAE]  }
0x2c: {  	s7 =	sld [smem:$0x3FAF]  }
0x2d: {  	s3 =	simm.s32 $0x108;
	s8 =	sld [smem:$0x3FB0]  }
0x2e: {  	s3 =	simm.s32 @!p0 $0x1082;
	s9 =	sld [smem:$0x3FB1]  }
0x2f: {  	lr =	sadd.s32 s0, s3;
	s0 =	sld [smem:$0x3FA8]  }
0x30: {  	s3 =	sld [smem:$0x3FAB]  }
0x31: {  	[smem:$0x3FB4] =	sst s10  }
0x32: {  	s10 =	sld [smem:$0x3FB2];
	_ =	sdelay $0x3  }
0x33: {  	p0 =	seq.s32 s10, $0x1;
	s10 =	sld [smem:$0x3FB4];
	_ =	sdelay $0x3  }
0x34: {  	[smem:$0x3FB4] =	sst s10  }
0x35: {  	s10 =	sld [smem:$0x3FB3];
	_ =	sdelay $0x3  }
0x36: {  	p1 =	seq.s32 s10, $0x1;
	s10 =	sld [smem:$0x3FB4];
	_ =	sdelay $0x3  }
0x37: {  	[smem:$0x3FB4] =	sst s10  }
0x38: {  	s10 =	sld [smem:$0x3FB5]  }
0x39: {  	_ = 	snop;
	(pc) =	sbr.ind lr, $3  }
0x3a: {  	_ = 	snop  }
0x3b: {  	_ = 	snop  }
0x3c: {  	p2 =	seq.s32 s10, $0x1;
	s10 =	sld [smem:$0x3FB4]  }
0x3d: {  	_ =	shalt  }
0x3e: {  	_ =	shalt  }
0x3f: {  	_ =	shalt  }
0x40: {  	_ =	shalt  }
0x41: {  	_ =	shalt  }
0x42: {  	_ =	shalt  }
0x43: {  	_ =	shalt  }
0x44: {  	_ =	shalt  }
0x45: {  	_ =	shalt  }
0x46: {  	_ =	shalt  }
0x47: {  	_ =	shalt  }
0x48: {  	_ =	shalt  }
0x49: {  	_ =	shalt  }
0x4a: {  	_ =	shalt  }
0x4b: {  	_ =	shalt  }
0x4c: {  	_ =	shalt  }
0x4d: {  	_ =	shalt  }
0x4e: {  	_ =	shalt  }
0x4f: {  	_ =	shalt  }
0x50: {  	_ =	shalt  }
0x51: {  	_ =	shalt  }
0x52: {  	_ =	shalt  }
0x53: {  	_ =	shalt  }
0x54: {  	_ =	shalt  }
0x55: {  	_ =	shalt  }
0x56: {  	_ =	shalt  }
0x57: {  	_ =	shalt  }
0x58: {  	_ =	shalt  }
0x59: {  	_ =	shalt  }
0x5a: {  	_ =	shalt  }
0x5b: {  	_ =	shalt  }
0x5c: {  	_ =	shalt  }
0x5d: {  	_ =	shalt  }
0x5e: {  	_ =	shalt  }
0x5f: {  	_ =	shalt  }
0x60: {  	_ =	shalt  }
0x61: {  	_ =	shalt  }
0x62: {  	_ =	shalt  }
0x63: {  	_ =	shalt  }
0x64: {  	_ =	shalt  }
0x65: {  	_ =	shalt  }
0x66: {  	_ =	shalt  }
0x67: {  	_ =	shalt  }
0x68: {  	_ =	shalt  }
0x69: {  	_ =	shalt  }
0x6a: {  	_ =	shalt  }
0x6b: {  	_ =	shalt  }
0x6c: {  	_ =	shalt  }
0x6d: {  	_ =	shalt  }
0x6e: {  	_ =	shalt  }
0x6f: {  	_ =	shalt  }
0x70: {  	_ =	shalt  }
0x71: {  	_ =	shalt  }
0x72: {  	_ =	shalt  }
0x73: {  	_ =	shalt  }
0x74: {  	_ =	shalt  }
0x75: {  	_ =	shalt  }
0x76: {  	_ =	shalt  }
0x77: {  	_ =	shalt  }
0x78: {  	_ =	shalt  }
0x79: {  	_ =	shalt  }
0x7a: {  	_ =	shalt  }
0x7b: {  	_ =	shalt  }
0x7c: {  	_ =	shalt  }
0x7d: {  	_ =	shalt  }
0x7e: {  	_ =	shalt  }
0x7f: {  	_ =	shalt  }
0x80: {  	_ =	shalt  }
0x81: {  	_ =	shalt  }
0x82: {  	_ =	shalt  }
0x83: {  	_ =	shalt  }
0x84: {  	_ =	shalt  }
0x85: {  	_ =	shalt  }
0x86: {  	_ =	shalt  }
0x87: {  	_ =	shalt  }
.Lfunc_end0:
.L_simem_size_0:
called_computation_lowered:
.L_overlay_start_0:
0x88: {  	s2 =	sld [smem:$0x3FD9]  }
0x89: {  	s3 =	sld [smem:$0x3FFE];
	_ =	sdelay $0x1  }
0x8a: {  	s1 =	srdreg.scid  }
0x8b: {  	s0 =	sand.u32 $0x1, s1  }
0x8c: {  	s16 =	sshll.u32 s0, $0xA;
	s2 =	sadd.s32 s3, s2  }
0x8d: {  	s2 =	sadd.s32 s2, s16  }
0x8e: {  	[smem:$0x3FC0] =	sst s2  }
0x8f: {  	_ = 	snop  }
0x90: {  	(tm) =	ssettm $0x1  }
0x91: {  	s17 =	sld [smem:$0x3FFB];
	_ =	sdelay $0x3  }
0x92: {  	_ =	strace s17  }
0x93: {  	s2 =	sld [smem:$0x3FFC];
	_ =	sdelay $0x3  }
0x94: {  	_ =	strace s2  }
0x95: {  	s2 =	sld [smem:$0x3FFD];
	_ =	sdelay $0x3  }
0x96: {  	_ =	strace s2  }
0x97: {  	_ =	strace $0x8FFFFFFF  }
0x98: {  	s18 =	sld [smem:$0x3FDB];
	_ =	sdelay $0x1  }
0x99: {  	s19 =	simm.s32 $_scs_section_size  }
0x9a: {  	s4 =	simm.s32 $_size__tile_overlayer_lowered;
	s5 =	simm.s32 $_tile_overlayer_lowered  }
0x9b: {  	s22 =	simm.s32 $0x1BFF;
	s21 =	sshll.u32 s5, $0x1;
	s2 =	sadd.s32 s19, s18  }
0x9c: {  	s6 =	simm.s32 $0x0;
	s20 =	sshll.u32 s4, $0x1;
	s4 =	sadd.s32 s21, s2  }
0x9d: {  	[timem:s6], [sflag:s22] =	dma.local [hbm:s4], s20  }
0x9e: {  	_ =	swait.ge [sflag:s22], s20  }
0x9f: {  	s3 =	ssub.s32 $0x0, s20;
	[sflag:s22] =	ssyncset.done $0x0  }
0xa0: {  	[sflag:s22] =	ssyncadd.s32 s3;
	_ =	sdelay $0x1  }
0xa1: {  	s23 =	simm.s32 $0x1B8B  }
0xa2: {  	_ =	swait.ge [sflag:s23], $0x1  }
0xa3: {  	[sflag:s23] =	ssyncset.done $0x0  }
0xa4: {  	s25 =	simm.s32 $0x1B8E;
	s24 =	sld [smem:$0x3FFE];
	[sflag:s23] =	ssyncadd.s32 $0xFFFFFFFF  }
0xa5: {  	s26 =	simm.s32 $execute0_lowered;
	[smem:$0x3FD2] =	sst s25  }
0xa6: {  	s4 =	sshll.u32 s26, $0x1;
	_ =	strace $0x80000046;
	[dreg:$0x1] =	wrdreg $0xFFFFFFFF  }
0xa7: {  	s28 =	simm.s32 $_size_execute0_lowered;
	s2 =	sadd.s32 s2, s4;
	[dreg:$0x0] =	wrdreg $0x0  }
0xa8: {  	s4 =	sshll.u32 s28, $0x1;
	[dreg:$0x2] =	wrdreg s2  }
0xa9: {  	[dreg:$0x3] =	wrdreg s4  }
0xaa: {  	[dreg:$0x4] =	wrdreg $0xC0  }
0xab: {  	_ =	task [dreg:s6], $0x5FFFF  }
0xac: {  	[dreg:$0x1] =	wrdreg $0xFFFFFFFF  }
0xad: {  	[dreg:$0x0] =	wrdreg $0x60  }
0xae: {  	[dreg:$0x2] =	wrdreg s24  }
0xaf: {  	[dreg:$0x3] =	wrdreg $0x41000  }
0xb0: {  	[dreg:$0x4] =	wrdreg $0x9  }
0xb1: {  	_ =	task.clear_ibuf [dreg:s6], $0x5FFFF;
	_ =	strace $0x90000046  }
0xb2: {  	s29 =	simm.s32 $0x9;
	_ =	strace $0x80000048  }
0xb3: {  	_ =	swait.ge [sflag:s29], $0x1  }
0xb4: {  	[sflag:s29] =	ssyncadd.s32 $0xFFFFFFFF  }
0xb5: {  	_ =	strace $0x90000048  }
0xb6: {  	_ =	sfence  }
0xb7: {  	s30 =	sld [smem:$0x0];
	_ =	sdelay $0x2  }
0xb8: {  	s31 =	sshll.u32 s1, $0xD;
	s1 =	sshrl.u32 s1, $0x2  }
0xb9: {  	s3 =	sand.u32 $0x4000, s31;
	s1 =	sadd.s32 s1, s30  }
0xba: {  	s0 =	sor.u32 s3, s0;
	s1 =	sshll.u32 s1, $0x11  }
0xbb: {  	s0 =	sor.u32 s1, s0  }
0xbc: {  	s0 =	sadd.s32 $0x8F2B, s0  }
0xbd: {  	[sflag:s0] =	ssyncadd.remote.s32 $0x1  }
0xbe: {  	_ =	sfence.sel $0xFFFF  }
0xbf: {  	[dreg:$0x0] =	wrdreg $0xFFFFFFFF;
	(pc) =	sbr.abs _section_cstart, $3  }
0xc0: {  	[dreg:$0x1] =	wrdreg $0xFFFFFFFF  }
0xc1: {  	_ =	task.clear_ibuf [dreg:s6], $0x2FFFF;
	_ =	strace $0x9FFFFFFF  }
0xc2: {  	(tm) =	ssettm $0x7FFFFFFF  }
0xc3: {  	_ =	shalt  }
tec
execute0_lowered:
.L_overlay_start_1:
0x0: {  	(tag) =	ssettag $0x1  }
0x1: {  	s5 =	rddreg [dreg:$0x0];
	s0 =	srdreg.scid  }
0x2: {  	s2 =	rddreg [dreg:$0x1];
	s1 =	stileid.u32;
	s3 =	simm.s32 $0x0  }
0x3: {  	s15 =	simm.s32 $0x2;
	s16 =	simm.s32 $0x80;
	s7 =	smul.u32 $0x13C00, s1  }
0x4: {  	s17 =	simm.s32 $0x1;
	s20 =	simm.s32 $0x0;
	s8 =	smul.u32 $0x9E0, s1  }
0x5: {  	s6 =	sand.u32 $0x1, s0;
	s0 =	rddreg [dreg:$0x2];
	s9 =	smul.u32 $0x4F000, s1  }
0x6: {  	[smem:$0x7FF] =	sst s3;
	s18 =	sshll.u32 s1, $0x6;
	s4 =	smul.u32 $0x13C000, s6  }
0x7: {  	_ =	strace $0x80000047;
	s29 =	ssub.s32 $0x2, s6;
	s12 =	smul.u32 $0x4F0, s6  }
0x8: {  	s18 =	sor.u32 $0x1C02, s18;
	s10 =	sadd.s32 s8, s5;
	s30 =	sshrl.u32 s9, $0x2  }
0x9: {  	s31 =	sshrl.u32 s29, $0x1;
	s7 =	sadd.s32 s7, s4;
	s4 =	sadd.s32 $0x67800, s5  }
0xa: {  	s13 =	ssub.s32 s29, s31;
	s14 =	sadd.s32 s12, s10;
	s7 =	sshrl.u32 s7, $0x3  }
0xb: {  	s12 =	sadd.s32 $0x5D600, s14;
	s11 =	sadd.s32 s7, s5;
	s5 =	sadd.s32 s30, s2  }
0xc: {  	s6 =	sadd.s32 $0x4000, s5;
	s7 =	sadd.s32 $0x8000, s5;
	s8 =	sadd.s32 $0xC000, s5  }
0xd: {  	s9 =	sadd.s32 $0x10000, s5;
	s10 =	sadd.s32 $0x8EA00, s11;
	s11 =	smax.u32 s13, $0x1  }
0xe: {  	v0 =	vimm.f32 $0.0e+00;
	s13 =	sadd.s32 $0x53800, s14;
	s14 =	simm.s32 $0x100;
	s19 =	sshrl.u32 s5, $0x3  }
.LBB2_1:
0xf: {  	s21 =	simm.s32 $0x0;
	s22 =	simm.s32 $0x200  }
.LBB2_2:
0x10: {  	p0 =	sne.s32 s22, $0xFE00;
	[tilespmem:s21+$0x170] =	vst v0  }
0x11: {  	[tilespmem:s21+$0x100] =	vst v0  }
0x12: {  	[tilespmem:s21+$0x110] =	vst v0  }
.Ltmp0:
0x13: {  	[tilespmem:s21+$0x120] =	vst v0;
	(pc) =	sbr.rel @p0 .LBB2_2-.Ltmp0, $4  }
0x14: {  	[tilespmem:s21+$0x130] =	vst v0  }
0x15: {  	[tilespmem:s21+$0x140] =	vst v0  }
0x16: {  	[tilespmem:s21+$0x150] =	vst v0  }
0x17: {  	[tilespmem:s21+$0x160] =	vst v0;
	s21 =	sshra.s32 s22, $0x2;
	s22 =	sadd.s32 $0x200, s22  }
0x18: {  	[tilespmem:s21+$0x170] =	vst v0  }
0x19: {  	[tilespmem:s21+$0x100] =	vst v0  }
0x1a: {  	[tilespmem:s21+$0x110] =	vst v0  }
0x1b: {  	[tilespmem:s21+$0x120] =	vst v0  }
0x1c: {  	[tilespmem:s21+$0x130] =	vst v0  }
0x1d: {  	[tilespmem:s21+$0x140] =	vst v0  }
0x1e: {  	[tilespmem:s21+$0x150] =	vst v0  }
0x1f: {  	[tilespmem:s21+$0x160] =	vst v0  }
0x20: {  	[spmem:s5] =	stream.linear.scatter [tilespmem:s14], [sflag:$0x2], $0x4000, $0x38;
	[tilespmem:$0x17D00] =	vst v63  }
0x21: {  	_ =	swait.ge [sflag:s15], $0x4000  }
0x22: {  	[sflag:s15] =	ssyncset.done $0x0  }
0x23: {  	[sflag:s15] =	ssyncadd.s32 $0xFFFFC000  }
0x24: {  	[spmem:s6] =	stream.linear.scatter [tilespmem:s14], [sflag:$0x2], $0x4000, $0x38;
	[tilespmem:$0x17D00] =	vst v63  }
0x25: {  	_ =	swait.ge [sflag:s15], $0x4000  }
0x26: {  	[sflag:s15] =	ssyncset.done $0x0  }
0x27: {  	[sflag:s15] =	ssyncadd.s32 $0xFFFFC000  }
0x28: {  	[spmem:s7] =	stream.linear.scatter [tilespmem:s14], [sflag:$0x2], $0x4000, $0x38;
	[tilespmem:$0x17D00] =	vst v63  }
0x29: {  	_ =	swait.ge [sflag:s15], $0x4000  }
0x2a: {  	[sflag:s15] =	ssyncset.done $0x0  }
0x2b: {  	[sflag:s15] =	ssyncadd.s32 $0xFFFFC000  }
0x2c: {  	[spmem:s8] =	stream.linear.scatter [tilespmem:s14], [sflag:$0x2], $0x4000, $0x38;
	[tilespmem:$0x17D00] =	vst v63  }
0x2d: {  	_ =	swait.ge [sflag:s15], $0x4000  }
0x2e: {  	[sflag:s15] =	ssyncset.done $0x0  }
0x2f: {  	[sflag:s15] =	ssyncadd.s32 $0xFFFFC000  }
0x30: {  	[spmem:s9] =	stream.linear.scatter [tilespmem:s14], [sflag:$0x2], $0x3C00, $0x38;
	[tilespmem:$0x17D00] =	vst v63  }
0x31: {  	_ =	swait.ge [sflag:s15], $0x3C00  }
0x32: {  	[sflag:s15] =	ssyncset.done $0x0  }
0x33: {  	[sflag:s15] =	ssyncadd.s32 $0xFFFFC400  }
0x34: {  	s30 =	sadd.s32 $0x0, s13;
	[bflag:$0x0] =	sbarrier.arrive $0xFFFF  }
0x35: {  	[tilespmem:s3], [sflag:$0x2] =	stream.linear.gather [hbm4b:s30+s3], $0x80, $0x38;
	[tilespmem:$0x17D00] =	vst v63  }
0x36: {  	_ =	swait.ge [sflag:s15], $0x80  }
0x37: {  	[sflag:s15] =	ssyncset.done $0x0  }
0x38: {  	s31 =	sadd.s32 $0x0, s12;
	[sflag:s15] =	ssyncadd.s32 $0xFFFFFF80  }
0x39: {  	[tilespmem:s16], [sflag:$0x2] =	stream.linear.gather [hbm4b:s31+s3], $0x80, $0x38;
	[tilespmem:$0x17D00] =	vst v63  }
0x3a: {  	_ =	swait.ge [sflag:s15], $0x80  }
0x3b: {  	[sflag:s15] =	ssyncset.done $0x0  }
0x3c: {  	[sflag:s15] =	ssyncadd.s32 $0xFFFFFF80  }
0x3d: {  	[tilespmem:s14], [sflag:$0x1] =	stream.indirect.gather [hbm4b:s4+s16], $0x80, s3, s16, $0xb8;
	[tilespmem:$0x17D00] =	vst v63  }
0x3e: {  	_ =	swait.ge [sflag:s17], $0x4000  }
0x3f: {  	[sflag:s17] =	ssyncset.done $0x0  }
0x40: {  	[sflag:s17] =	ssyncadd.s32 $0xFFFFC000  }
0x41: {  	[spmem:s2] =	stream.indirect.scatter.add.f32 [tilespmem:s14], [sflag:$0x2], $0x80, s16, s16, $0xb8;
	[tilespmem:$0x17D00] =	vst v63  }
0x42: {  	_ =	swait.ge [sflag:s15], $0x4000  }
0x43: {  	s21 =	simm.s32 $0x10;
	s22 =	simm.s32 $0x20;
	[sflag:s15] =	ssyncset.done $0x0  }
.LBB2_4:
0x44: {  	s23 =	sadd.s32 s21, s13  }
0x45: {  	[sflag:s15] =	ssyncadd.s32 $0xFFFFC000;
	s24 =	smov.u32 s22;
	s25 =	sadd.s32 $0x10, s22  }
0x46: {  	[tilespmem:s3], [sflag:$0x2] =	stream.linear.gather [hbm4b:s23+s3], $0x80, $0x38;
	[tilespmem:$0x17D00] =	vst v63  }
0x47: {  	p0 =	sne.s32 s22, $0x4E0;
	_ =	swait.ge [sflag:s15], $0x80  }
0x48: {  	[sflag:s15] =	ssyncset.done $0x0  }
0x49: {  	s22 =	sadd.s32 s21, s12;
	s21 =	smov.u32 s24;
	[sflag:s15] =	ssyncadd.s32 $0xFFFFFF80  }
0x4a: {  	[tilespmem:s16], [sflag:$0x2] =	stream.linear.gather [hbm4b:s22+s3], $0x80, $0x38;
	[tilespmem:$0x17D00] =	vst v63  }
0x4b: {  	_ =	swait.ge [sflag:s15], $0x80  }
0x4c: {  	[sflag:s15] =	ssyncset.done $0x0  }
0x4d: {  	[sflag:s15] =	ssyncadd.s32 $0xFFFFFF80  }
0x4e: {  	[tilespmem:s14], [sflag:$0x1] =	stream.indirect.gather [hbm4b:s4+s16], $0x80, s3, s16, $0xb8;
	[tilespmem:$0x17D00] =	vst v63  }
0x4f: {  	_ =	swait.ge [sflag:s17], $0x4000  }
.Ltmp1:
0x50: {  	[sflag:s17] =	ssyncset.done $0x0;
	(pc) =	sbr.rel @p0 .LBB2_4-.Ltmp1, $4  }
0x51: {  	[sflag:s17] =	ssyncadd.s32 $0xFFFFC000  }
0x52: {  	[spmem:s2] =	stream.indirect.scatter.add.f32 [tilespmem:s14], [sflag:$0x2], $0x80, s16, s16, $0xb8;
	[tilespmem:$0x17D00] =	vst v63  }
0x53: {  	_ =	swait.ge [sflag:s15], $0x4000  }
0x54: {  	s22 =	smov.u32 s25;
	[sflag:s15] =	ssyncset.done $0x0  }
0x55: {  	s22 =	sadd.s32 s21, s13;
	[sflag:s15] =	ssyncadd.s32 $0xFFFFC000  }
0x56: {  	[tilespmem:s3], [sflag:$0x2] =	stream.linear.gather [hbm4b:s22+s3], $0x80, $0x38;
	[tilespmem:$0x17D00] =	vst v63  }
0x57: {  	_ =	swait.ge [sflag:s15], $0x80  }
0x58: {  	[sflag:s15] =	ssyncset.done $0x0  }
0x59: {  	s31 =	sadd.s32 s21, s12;
	[sflag:s15] =	ssyncadd.s32 $0xFFFFFF80  }
0x5a: {  	[tilespmem:s16], [sflag:$0x2] =	stream.linear.gather [hbm4b:s31+s3], $0x80, $0x38;
	[tilespmem:$0x17D00] =	vst v63  }
0x5b: {  	_ =	swait.ge [sflag:s15], $0x80  }
0x5c: {  	[sflag:s15] =	ssyncset.done $0x0  }
0x5d: {  	[sflag:s15] =	ssyncadd.s32 $0xFFFFFF80  }
0x5e: {  	[tilespmem:s14], [sflag:$0x1] =	stream.indirect.gather [hbm4b:s4+s16], $0x80, s3, s16, $0xb8;
	[tilespmem:$0x17D00] =	vst v63  }
0x5f: {  	_ =	swait.ge [sflag:s17], $0x4000  }
0x60: {  	[sflag:s17] =	ssyncset.done $0x0  }
0x61: {  	[sflag:s17] =	ssyncadd.s32 $0xFFFFC000  }
0x62: {  	[spmem:s2] =	stream.indirect.scatter.add.f32 [tilespmem:s14], [sflag:$0x2], $0x80, s16, s16, $0xb8;
	[tilespmem:$0x17D00] =	vst v63  }
0x63: {  	_ =	swait.ge [sflag:s15], $0x4000  }
0x64: {  	s20 =	sadd.s32 $0x1, s20;
	[sflag:s15] =	ssyncset.done $0x0  }
0x65: {  	p0 =	sne.s32 s20, s11;
	[sflag:s15] =	ssyncadd.s32 $0xFFFFC000  }
.Ltmp2:
0x66: {  	[bflag:$0x0] =	sbarrier.arrive $0xFFFF;
	(pc) =	sbr.rel @p0 .LBB2_1-.Ltmp2, $4  }
0x67: {  	[hbm:s10], [sflag:s18] =	dma.local [spmem:s19], $0x2780  }
0x68: {  	_ =	swait.ge [sflag:s15], $0x2780  }
0x69: {  	[sflag:s15] =	ssyncset.done $0x0  }
0x6a: {  	[sflag:s15] =	ssyncadd.s32 $0xFFFFD880  }
0x6b: {  	_ =	sfence.sel $0x180000  }
0x6c: {  	[bflag:$0x0] =	sbarrier.arrive $0xFFFF  }
0x6d: {  	p0 =	sne.s32 s1, $0x0;
	_ =	strace $0x90000047  }
0x6e: {  	s0 =	sadd.s32 @!p0 $0x100000, s0;
	[bflag:$0x2] =	sbarrier.arrive $0xFFFF  }
0x6f: {  	[sflag:s0] =	ssyncadd.tile.s32 @!p0 $0x1;
	_ =	shalt  }
.Lfunc_end2:
_tile_overlayer_lowered:
.L_overlay_start_2:
0x70: {  	(tag) =	ssettag $0x2  }
0x71: {  	s0 =	rddreg [dreg:$0x0];
	s2 =	stileid.u32  }
0x72: {  	s1 =	rddreg [dreg:$0x1];
	p0 =	sne.s32 s2, $0x0  }
0x73: {  	s3 =	rddreg [dreg:$0x2];
	[bflag:$0x3] =	sbarrier.arrive $0xFFFF;
	s2 =	simm.s32 @!p0 $0x1C02  }
0x74: {  	[timem:s3], [sflag:s2] =	dma.local @!p0 [hbm:s0], s1  }
0x75: {  	s0 =	simm.s32 @!p0 $0x2  }
0x76: {  	_ =	swait.ge @!p0 [sflag:s0], s1  }
0x77: {  	s1 =	ssub.s32 @!p0 $0x0, s1;
	[sflag:s0] =	ssyncset.done @!p0 $0x0  }
0x78: {  	[sflag:s0] =	ssyncadd.s32 @!p0 s1  }
0x79: {  	[bflag:$0x3] =	sbarrier.arrive $0xFFFF  }
0x7a: {  	_ =	shalt  }

</sc_bundles>
